<compile_context>
chip_gen: v7x
topology: tpu7x:2x2x1
jax: 0.10.2.dev20260603
libtpu: 0.0.44.dev20260713+nightly
codegen_flags: <defaults>
</compile_context>

<pallas_src>
import functools

import jax
import jax.numpy as jnp
from jax import lax
from jax.experimental import pallas as pl
from jax.experimental.pallas import tpu as pltpu
from jax.experimental.pallas import tpu_sc as plsc

NF = 26
V = 100000
E = 32
B = 4096

NC = 2
NS = 16
L = 16
NW = NC * NS

B_PER_W = B // NW
ROWS_PER_W = B_PER_W * NF
NB = 4
CHUNK_ROWS = NB * NF
NCHUNKS = B_PER_W // NB
BE = E * NF
VECS_PER_CHUNK = NB * BE // L
VECS_PER_ELEM = BE // L


def _body(ids_hbm, tab_hbm, out_hbm, idx_v, g_v, o_v, pat_v, gsem):
    wid = lax.axis_index("s") * NC + lax.axis_index("c")
    row_base = wid * ROWS_PER_W

    pltpu.sync_copy(ids_hbm.at[pl.ds(row_base, ROWS_PER_W)], idx_v)

    def pat_step(m, _):
        f = m // 2
        e0 = (m % 2) * L
        lanes = lax.iota(jnp.int32, L)
        pat_v[pl.ds(m * L, L)] = (e0 + lanes) * NF + f
        return 0

    lax.fori_loop(0, VECS_PER_ELEM, pat_step, 0, unroll=False)

    def idx_step(i, _):
        pos = i * L + lax.iota(jnp.int32, L)
        f = lax.rem(pos, NF)
        idx_v[pl.ds(i * L, L)] = idx_v[pl.ds(i * L, L)] + f * V
        return 0

    lax.fori_loop(0, ROWS_PER_W // L, idx_step, 0, unroll=False)

    def chunk_step(c, _):
        pltpu.async_copy(
            tab_hbm.at[idx_v.at[pl.ds(c * CHUNK_ROWS, CHUNK_ROWS)]],
            g_v,
            gsem,
        ).wait()

        def t_step(t, _):
            r = t // 2
            e0 = (t % 2) * L
            j = t // VECS_PER_ELEM
            m = t % VECS_PER_ELEM
            vals = g_v[r, pl.ds(e0, L)]
            dst = pat_v[pl.ds(m * L, L)] + j * BE
            plsc.store_scatter(o_v, [dst], vals)
            return 0

        lax.fori_loop(0, VECS_PER_CHUNK, t_step, 0, unroll=False)

        out_off = (wid * B_PER_W + c * NB) * BE
        pltpu.sync_copy(o_v, out_hbm.at[pl.ds(out_off, NB * BE)])
        return 0

    lax.fori_loop(0, NCHUNKS, chunk_step, 0, unroll=False)


@jax.jit
def kernel(ids, tables):
    ids_flat = ids.reshape(B * NF)
    tab_flat = tables.reshape(NF * V, E)

    mesh = plsc.VectorSubcoreMesh(
        core_axis_name="c", subcore_axis_name="s", num_cores=NC, num_subcores=NS
    )
    out_flat = pl.kernel(
        _body,
        out_type=jax.ShapeDtypeStruct((B * BE,), jnp.float32),
        mesh=mesh,
        compiler_params=pltpu.CompilerParams(
            needs_layout_passes=False, use_tc_tiling_on_sc=False
        ),
        scratch_types=[
            pltpu.VMEM((ROWS_PER_W,), jnp.int32),
            pltpu.VMEM((CHUNK_ROWS, E), jnp.float32),
            pltpu.VMEM((NB * BE,), jnp.float32),
            pltpu.VMEM((BE,), jnp.int32),
            pltpu.SemaphoreType.DMA,
        ],
    )(ids_flat, tab_flat)
    return out_flat.reshape(B, E, NF)

# --- scband reference (transcript-rebuilt; emitter-appended) ---
"""Pipeline reference for scband-field-encoder-37374805410622 (READ-ONLY COPY).

The authoritative reference and input builder live on the scoring server;
editing this copy changes nothing except your own understanding.
"""

import jax, jax.numpy as jnp
import numpy as np

NF = 26      # number of one-hot fields
V = 100000   # vocab size per field
E = 32       # emb_size
B = 4096     # batch

def setup_inputs(seed: int = 0) -> dict:
    key = jax.random.key(seed)
    k_ids, k_tab = jax.random.split(key)
    ids = jax.random.randint(k_ids, (B, NF), 0, V, dtype=jnp.int32)
    # One embedding table per field, stacked: [NF, V, E].
    # nn.Embedding default init ~ N(0,1); padding_idx=0 row is zeroed.
    tables = jax.random.normal(k_tab, (NF, V, E), dtype=jnp.float32)
    tables = tables.at[:, 0, :].set(0.0)  # padding_idx = 0
    return {"ids": ids, "tables": tables}

def reference(ids, tables):
    # OnehotEncoderList.forward: per-field embedding lookup, then stack on dim=-1.
    # ids: [B, NF] int, tables: [NF, V, E] float32
    def per_field(tab, idx):
        return jnp.take(tab, idx, axis=0)  # [B, E]
    zs = jax.vmap(per_field)(tables, ids.T)   # [NF, B, E]
    z = jnp.transpose(zs, (1, 2, 0))          # [B, E, NF]  (torch.stack(zs, dim=-1))
    # FieldEncoder: embs = cat([onehot_z], dim=-1) -> same tensor; dropout p=0.0 (eval) -> identity
    return z

if __name__ == "__main__":
    import jax
    _d = setup_inputs()
    print(jax.jit(kernel)(*tuple(_d.values())))

</pallas_src>

<mosaic_0001>
#map = affine_map<(d0, d1) -> (0)>
#map1 = affine_map<(d0, d1) -> (0, 0)>
module attributes {stable_mosaic.version = 14 : i64} {
  func.func @_body(%arg0: i32, %arg1: i32, %arg2: memref<106496xi32, #tpu.memory_space<hbm>>, %arg3: memref<2600000x32xf32, #tpu.memory_space<hbm>>, %arg4: memref<3407872xf32, #tpu.memory_space<hbm>>, %arg5: memref<3328xi32, #tpu.memory_space<vmem>>, %arg6: memref<104x32xf32, #tpu.memory_space<vmem>>, %arg7: memref<3328xf32, #tpu.memory_space<vmem>>, %arg8: memref<832xi32, #tpu.memory_space<vmem>>, %arg9: memref<!tpu.dma_semaphore, #tpu.memory_space<semaphore_mem>>) attributes {dimension_semantics = [#tpu.dimension_semantics<core_parallel>, #tpu.dimension_semantics<subcore_parallel>], iteration_bounds = array<i64: 2, 16>, scalar_prefetch = 0 : i64, scratch_operands = 5 : i64, tpu.core_type = #tpu.core_type<sc_vector_subcore>, window_params = [{transform_indices = #map}, {transform_indices = #map1}, {transform_indices = #map}]} {
    %mul3A = arith.constant 2 : i32
    %mul3A_0 = arith.muli %arg1, %mul3A : i32
    %add3A = arith.addi %mul3A_0, %arg0 : i32
    %mul3A_1 = arith.constant 3328 : i32
    %mul3A_2 = arith.muli %add3A, %mul3A_1 : i32
    "tpu.region"() ({
      %run_scoped3A = tpu.sem_alloc : memref<!tpu.dma_semaphore, #tpu.memory_space<semaphore_mem>>
      %dma_start3A = tpu.memref_slice %arg2[%mul3A_2] : memref<106496xi32, #tpu.memory_space<hbm>> -> memref<3328xi32, #tpu.memory_space<hbm>>
      %dma_start3A_23 = tpu.memref_slice %arg2[%mul3A_2] : memref<106496xi32, #tpu.memory_space<hbm>> -> memref<3328xi32, #tpu.memory_space<hbm>>
      tpu.enqueue_dma source(%dma_start3A_23 : memref<3328xi32, #tpu.memory_space<hbm>>) target(%arg5 : memref<3328xi32, #tpu.memory_space<vmem>>) target_semaphore(%run_scoped3A : memref<!tpu.dma_semaphore, #tpu.memory_space<semaphore_mem>>)
      %dma_wait3A = tpu.memref_slice %arg2[%mul3A_2] : memref<106496xi32, #tpu.memory_space<hbm>> -> memref<3328xi32, #tpu.memory_space<hbm>>
      %dma_wait3A_24 = tpu.memref_slice %arg2[%mul3A_2] : memref<106496xi32, #tpu.memory_space<hbm>> -> memref<3328xi32, #tpu.memory_space<hbm>>
      tpu.wait_dma2 semaphore(%run_scoped3A : memref<!tpu.dma_semaphore, #tpu.memory_space<semaphore_mem>>) src(%dma_wait3A_24 : memref<3328xi32, #tpu.memory_space<hbm>>) dst(%arg5 : memref<3328xi32, #tpu.memory_space<vmem>>)
      tpu.yield
    }) : () -> ()
    %scan3A = arith.constant 0 : i32
    %scan3A_3 = arith.constant 0 : i32
    %scan3A_4 = arith.constant 52 : i32
    %scan3A_5 = arith.addi %scan3A_3, %scan3A_4 : i32
    %scan3A_6 = arith.constant 1 : i32
    %scan3A_7 = scf.for %scan3A_23 = %scan3A_3 to %scan3A_5 step %scan3A_6 iter_args(%scan3A_24 = %scan3A) -> (i32)  : i32 {
      %jit3A = arith.constant 2 : i32
      %div3A = arith.divsi %scan3A_23, %jit3A : i32
      %sign3A = arith.constant 0 : i32
      %sign3A_25 = arith.cmpi sgt, %scan3A_23, %sign3A : i32
      %sign3A_26 = arith.extui %sign3A_25 : i1 to i32
      %sign3A_27 = arith.constant 0 : i32
      %sign3A_28 = arith.cmpi slt, %scan3A_23, %sign3A_27 : i32
      %sign3A_29 = arith.extui %sign3A_28 : i1 to i32
      %sign3A_30 = arith.subi %sign3A_26, %sign3A_29 : i32
      %sign3A_31 = arith.constant 0 : i32
      %sign3A_32 = arith.cmpi sgt, %jit3A, %sign3A_31 : i32
      %sign3A_33 = arith.extui %sign3A_32 : i1 to i32
      %sign3A_34 = arith.constant 0 : i32
      %sign3A_35 = arith.cmpi slt, %jit3A, %sign3A_34 : i32
      %sign3A_36 = arith.extui %sign3A_35 : i1 to i32
      %sign3A_37 = arith.subi %sign3A_33, %sign3A_36 : i32
      %ne3A = arith.cmpi ne, %sign3A_30, %sign3A_37 : i32
      %rem3A = arith.remsi %scan3A_23, %jit3A : i32
      %ne3A_38 = arith.constant 0 : i32
      %ne3A_39 = arith.cmpi ne, %rem3A, %ne3A_38 : i32
      %and3A = arith.andi %ne3A, %ne3A_39 : i1
      %sub3A = arith.constant 1 : i32
      %sub3A_40 = arith.subi %div3A, %sub3A : i32
      %select_n3A = arith.select %and3A, %sub3A_40, %div3A : i32
      %jit3A_41 = arith.constant 2 : i32
      %eq3A = arith.constant 0 : i32
      %eq3A_42 = arith.cmpi eq, %jit3A_41, %eq3A : i32
      %jit3A_43 = arith.constant 1 : i32
      %select_n3A_44 = arith.select %eq3A_42, %jit3A_43, %jit3A_41 : i32
      %rem3A_45 = arith.remsi %scan3A_23, %select_n3A_44 : i32
      %ne3A_46 = arith.constant 0 : i32
      %ne3A_47 = arith.cmpi ne, %rem3A_45, %ne3A_46 : i32
      %lt3A = arith.constant 0 : i32
      %lt3A_48 = arith.cmpi slt, %rem3A_45, %lt3A : i32
      %lt3A_49 = arith.constant 0 : i32
      %lt3A_50 = arith.cmpi slt, %select_n3A_44, %lt3A_49 : i32
      %ne3A_51 = arith.xori %lt3A_48, %lt3A_50 : i1
      %and3A_52 = arith.andi %ne3A_51, %ne3A_47 : i1
      %add3A_53 = arith.addi %rem3A_45, %select_n3A_44 : i32
      %select_n3A_54 = arith.select %and3A_52, %add3A_53, %rem3A_45 : i32
      %mul3A_55 = arith.constant 16 : i32
      %mul3A_56 = arith.muli %select_n3A_54, %mul3A_55 : i32
      %iota3A = tpu.iota {dimensions = array<i32: 0>} : vector<16xi32>
      %add3A_57 = vector.broadcast %mul3A_56 : i32 to vector<16xi32>
      %add3A_58 = arith.addi %add3A_57, %iota3A : vector<16xi32>
      %mul3A_59 = arith.constant 26 : i32
      %mul3A_60 = vector.broadcast %mul3A_59 : i32 to vector<16xi32>
      %mul3A_61 = arith.muli %add3A_58, %mul3A_60 : vector<16xi32>
      %add3A_62 = vector.broadcast %select_n3A : i32 to vector<16xi32>
      %add3A_63 = arith.addi %mul3A_61, %add3A_62 : vector<16xi32>
      %mul3A_64 = arith.constant 16 : i32
      %mul3A_65 = arith.muli %scan3A_23, %mul3A_64 : i32
      %swap3A = arith.index_cast %mul3A_65 : i32 to index
      %swap3A_66 = tpu.vector_load %arg8[%swap3A] {strides = array<i32>} : memref<832xi32, #tpu.memory_space<vmem>>, vector<16xi32>,
      tpu.vector_store %arg8[%swap3A], %add3A_63 {strides = array<i32>} : memref<832xi32, #tpu.memory_space<vmem>>, vector<16xi32>,
      %scan3A_67 = arith.constant 0 : i32
      scf.yield %scan3A_67 : i32
    }
    %scan3A_8 = arith.constant 52 : i32
    %scan3A_9 = arith.constant 0 : i32
    %scan3A_10 = arith.constant 0 : i32
    %scan3A_11 = arith.constant 208 : i32
    %scan3A_12 = arith.addi %scan3A_10, %scan3A_11 : i32
    %scan3A_13 = arith.constant 1 : i32
    %scan3A_14 = scf.for %scan3A_23 = %scan3A_10 to %scan3A_12 step %scan3A_13 iter_args(%scan3A_24 = %scan3A_9) -> (i32)  : i32 {
      %mul3A_25 = arith.constant 16 : i32
      %mul3A_26 = arith.muli %scan3A_23, %mul3A_25 : i32
      %iota3A = tpu.iota {dimensions = array<i32: 0>} : vector<16xi32>
      %add3A_27 = vector.broadcast %mul3A_26 : i32 to vector<16xi32>
      %add3A_28 = arith.addi %add3A_27, %iota3A : vector<16xi32>
      %rem3A = arith.constant 26 : i32
      %rem3A_29 = vector.broadcast %rem3A : i32 to vector<16xi32>
      %rem3A_30 = arith.remsi %add3A_28, %rem3A_29 : vector<16xi32>
      %mul3A_31 = arith.constant 16 : i32
      %mul3A_32 = arith.muli %scan3A_23, %mul3A_31 : i32
      %get3A = arith.index_cast %mul3A_32 : i32 to index
      %get3A_33 = tpu.vector_load %arg5[%get3A] {strides = array<i32>} : memref<3328xi32, #tpu.memory_space<vmem>>, vector<16xi32>,
      %mul3A_34 = arith.constant 100000 : i32
      %mul3A_35 = vector.broadcast %mul3A_34 : i32 to vector<16xi32>
      %mul3A_36 = arith.muli %rem3A_30, %mul3A_35 : vector<16xi32>
      %add3A_37 = arith.addi %get3A_33, %mul3A_36 : vector<16xi32>
      %mul3A_38 = arith.constant 16 : i32
      %mul3A_39 = arith.muli %scan3A_23, %mul3A_38 : i32
      %swap3A = arith.index_cast %mul3A_39 : i32 to index
      %swap3A_40 = tpu.vector_load %arg5[%swap3A] {strides = array<i32>} : memref<3328xi32, #tpu.memory_space<vmem>>, vector<16xi32>,
      tpu.vector_store %arg5[%swap3A], %add3A_37 {strides = array<i32>} : memref<3328xi32, #tpu.memory_space<vmem>>, vector<16xi32>,
      %scan3A_41 = arith.constant 0 : i32
      scf.yield %scan3A_41 : i32
    }
    %scan3A_15 = arith.constant 208 : i32
    %scan3A_16 = arith.constant 0 : i32
    %scan3A_17 = arith.constant 0 : i32
    %scan3A_18 = arith.constant 32 : i32
    %scan3A_19 = arith.addi %scan3A_17, %scan3A_18 : i32
    %scan3A_20 = arith.constant 1 : i32
    %scan3A_21 = scf.for %scan3A_23 = %scan3A_17 to %scan3A_19 step %scan3A_20 iter_args(%scan3A_24 = %scan3A_16) -> (i32)  : i32 {
      %mul3A_25 = arith.constant 104 : i32
      %mul3A_26 = arith.muli %scan3A_23, %mul3A_25 : i32
      %dma_start3A = tpu.memref_slice %arg5[%mul3A_26] : memref<3328xi32, #tpu.memory_space<vmem>> -> memref<104xi32, #tpu.memory_space<vmem>>
      %dma_start3A_27 = arith.constant 0 : i32
      %dma_start3A_28 = arith.constant 0 : i32
      %dma_start3A_29 = tpu.memref_slice %arg3[%dma_start3A_27, %dma_start3A_28] : memref<2600000x32xf32, #tpu.memory_space<hbm>> -> memref<2600000x32xf32, #tpu.memory_space<hbm>>
      tpu.enqueue_indirect_dma source(%dma_start3A_29 : memref<2600000x32xf32, #tpu.memory_space<hbm>>) target(%arg6 : memref<104x32xf32, #tpu.memory_space<vmem>>) offsets(%dma_start3A : memref<104xi32, #tpu.memory_space<vmem>>) semaphore(%arg9 : memref<!tpu.dma_semaphore, #tpu.memory_space<semaphore_mem>>)
      %dma_wait3A = tpu.memref_slice %arg5[%mul3A_26] : memref<3328xi32, #tpu.memory_space<vmem>> -> memref<104xi32, #tpu.memory_space<vmem>>
      %dma_wait3A_30 = arith.constant 0 : i32
      %dma_wait3A_31 = arith.constant 0 : i32
      %dma_wait3A_32 = tpu.memref_slice %arg3[%dma_wait3A_30, %dma_wait3A_31] : memref<2600000x32xf32, #tpu.memory_space<hbm>> -> memref<2600000x32xf32, #tpu.memory_space<hbm>>
      tpu.wait_indirect_dma semaphore(%arg9 : memref<!tpu.dma_semaphore, #tpu.memory_space<semaphore_mem>>) src(%dma_wait3A_32 : memref<2600000x32xf32, #tpu.memory_space<hbm>>) dst(%arg6 : memref<104x32xf32, #tpu.memory_space<vmem>>)
      %scan3A_33 = arith.constant 0 : i32
      %scan3A_34 = arith.constant 0 : i32
      %scan3A_35 = arith.constant 208 : i32
      %scan3A_36 = arith.addi %scan3A_34, %scan3A_35 : i32
      %scan3A_37 = arith.constant 1 : i32
      %scan3A_38 = scf.for %scan3A_48 = %scan3A_34 to %scan3A_36 step %scan3A_37 iter_args(%scan3A_49 = %scan3A_33) -> (i32)  : i32 {
        %jit3A = arith.constant 2 : i32
        %div3A = arith.divsi %scan3A_48, %jit3A : i32
        %sign3A = arith.constant 0 : i32
        %sign3A_50 = arith.cmpi sgt, %scan3A_48, %sign3A : i32
        %sign3A_51 = arith.extui %sign3A_50 : i1 to i32
        %sign3A_52 = arith.constant 0 : i32
        %sign3A_53 = arith.cmpi slt, %scan3A_48, %sign3A_52 : i32
        %sign3A_54 = arith.extui %sign3A_53 : i1 to i32
        %sign3A_55 = arith.subi %sign3A_51, %sign3A_54 : i32
        %sign3A_56 = arith.constant 0 : i32
        %sign3A_57 = arith.cmpi sgt, %jit3A, %sign3A_56 : i32
        %sign3A_58 = arith.extui %sign3A_57 : i1 to i32
        %sign3A_59 = arith.constant 0 : i32
        %sign3A_60 = arith.cmpi slt, %jit3A, %sign3A_59 : i32
        %sign3A_61 = arith.extui %sign3A_60 : i1 to i32
        %sign3A_62 = arith.subi %sign3A_58, %sign3A_61 : i32
        %ne3A = arith.cmpi ne, %sign3A_55, %sign3A_62 : i32
        %rem3A = arith.remsi %scan3A_48, %jit3A : i32
        %ne3A_63 = arith.constant 0 : i32
        %ne3A_64 = arith.cmpi ne, %rem3A, %ne3A_63 : i32
        %and3A = arith.andi %ne3A, %ne3A_64 : i1
        %sub3A = arith.constant 1 : i32
        %sub3A_65 = arith.subi %div3A, %sub3A : i32
        %select_n3A = arith.select %and3A, %sub3A_65, %div3A : i32
        %jit3A_66 = arith.constant 2 : i32
        %eq3A = arith.constant 0 : i32
        %eq3A_67 = arith.cmpi eq, %jit3A_66, %eq3A : i32
        %jit3A_68 = arith.constant 1 : i32
        %select_n3A_69 = arith.select %eq3A_67, %jit3A_68, %jit3A_66 : i32
        %rem3A_70 = arith.remsi %scan3A_48, %select_n3A_69 : i32
        %ne3A_71 = arith.constant 0 : i32
        %ne3A_72 = arith.cmpi ne, %rem3A_70, %ne3A_71 : i32
        %lt3A = arith.constant 0 : i32
        %lt3A_73 = arith.cmpi slt, %rem3A_70, %lt3A : i32
        %lt3A_74 = arith.constant 0 : i32
        %lt3A_75 = arith.cmpi slt, %select_n3A_69, %lt3A_74 : i32
        %ne3A_76 = arith.xori %lt3A_73, %lt3A_75 : i1
        %and3A_77 = arith.andi %ne3A_76, %ne3A_72 : i1
        %add3A_78 = arith.addi %rem3A_70, %select_n3A_69 : i32
        %select_n3A_79 = arith.select %and3A_77, %add3A_78, %rem3A_70 : i32
        %mul3A_80 = arith.constant 16 : i32
        %mul3A_81 = arith.muli %select_n3A_79, %mul3A_80 : i32
        %jit3A_82 = arith.constant 52 : i32
        %div3A_83 = arith.divsi %scan3A_48, %jit3A_82 : i32
        %sign3A_84 = arith.constant 0 : i32
        %sign3A_85 = arith.cmpi sgt, %scan3A_48, %sign3A_84 : i32
        %sign3A_86 = arith.extui %sign3A_85 : i1 to i32
        %sign3A_87 = arith.constant 0 : i32
        %sign3A_88 = arith.cmpi slt, %scan3A_48, %sign3A_87 : i32
        %sign3A_89 = arith.extui %sign3A_88 : i1 to i32
        %sign3A_90 = arith.subi %sign3A_86, %sign3A_89 : i32
        %sign3A_91 = arith.constant 0 : i32
        %sign3A_92 = arith.cmpi sgt, %jit3A_82, %sign3A_91 : i32
        %sign3A_93 = arith.extui %sign3A_92 : i1 to i32
        %sign3A_94 = arith.constant 0 : i32
        %sign3A_95 = arith.cmpi slt, %jit3A_82, %sign3A_94 : i32
        %sign3A_96 = arith.extui %sign3A_95 : i1 to i32
        %sign3A_97 = arith.subi %sign3A_93, %sign3A_96 : i32
        %ne3A_98 = arith.cmpi ne, %sign3A_90, %sign3A_97 : i32
        %rem3A_99 = arith.remsi %scan3A_48, %jit3A_82 : i32
        %ne3A_100 = arith.constant 0 : i32
        %ne3A_101 = arith.cmpi ne, %rem3A_99, %ne3A_100 : i32
        %and3A_102 = arith.andi %ne3A_98, %ne3A_101 : i1
        %sub3A_103 = arith.constant 1 : i32
        %sub3A_104 = arith.subi %div3A_83, %sub3A_103 : i32
        %select_n3A_105 = arith.select %and3A_102, %sub3A_104, %div3A_83 : i32
        %jit3A_106 = arith.constant 52 : i32
        %eq3A_107 = arith.constant 0 : i32
        %eq3A_108 = arith.cmpi eq, %jit3A_106, %eq3A_107 : i32
        %jit3A_109 = arith.constant 1 : i32
        %select_n3A_110 = arith.select %eq3A_108, %jit3A_109, %jit3A_106 : i32
        %rem3A_111 = arith.remsi %scan3A_48, %select_n3A_110 : i32
        %ne3A_112 = arith.constant 0 : i32
        %ne3A_113 = arith.cmpi ne, %rem3A_111, %ne3A_112 : i32
        %lt3A_114 = arith.constant 0 : i32
        %lt3A_115 = arith.cmpi slt, %rem3A_111, %lt3A_114 : i32
        %lt3A_116 = arith.constant 0 : i32
        %lt3A_117 = arith.cmpi slt, %select_n3A_110, %lt3A_116 : i32
        %ne3A_118 = arith.xori %lt3A_115, %lt3A_117 : i1
        %and3A_119 = arith.andi %ne3A_118, %ne3A_113 : i1
        %add3A_120 = arith.addi %rem3A_111, %select_n3A_110 : i32
        %select_n3A_121 = arith.select %and3A_119, %add3A_120, %rem3A_111 : i32
        %get3A = arith.index_cast %select_n3A : i32 to index
        %get3A_122 = arith.index_cast %mul3A_81 : i32 to index
        %get3A_123 = tpu.vector_load %arg6[%get3A, %get3A_122] {strides = array<i32>} : memref<104x32xf32, #tpu.memory_space<vmem>>, vector<16xf32>,
        %mul3A_124 = arith.constant 16 : i32
        %mul3A_125 = arith.muli %select_n3A_121, %mul3A_124 : i32
        %get3A_126 = arith.index_cast %mul3A_125 : i32 to index
        %get3A_127 = tpu.vector_load %arg8[%get3A_126] {strides = array<i32>} : memref<832xi32, #tpu.memory_space<vmem>>, vector<16xi32>,
        %mul3A_128 = arith.constant 832 : i32
        %mul3A_129 = arith.muli %select_n3A_105, %mul3A_128 : i32
        %add3A_130 = vector.broadcast %mul3A_129 : i32 to vector<16xi32>
        %add3A_131 = arith.addi %get3A_127, %add3A_130 : vector<16xi32>
        tpu.vector_store_idx %arg7[%add3A_131], %get3A_123 : memref<3328xf32, #tpu.memory_space<vmem>>[vector<16xi32>], vector<16xf32>,
        %scan3A_132 = arith.constant 0 : i32
        scf.yield %scan3A_132 : i32
      }
      %scan3A_39 = arith.constant 208 : i32
      %mul3A_40 = arith.constant 128 : i32
      %mul3A_41 = arith.muli %add3A, %mul3A_40 : i32
      %mul3A_42 = arith.constant 4 : i32
      %mul3A_43 = arith.muli %scan3A_23, %mul3A_42 : i32
      %add3A_44 = arith.addi %mul3A_41, %mul3A_43 : i32
      %mul3A_45 = arith.constant 832 : i32
      %mul3A_46 = arith.muli %add3A_44, %mul3A_45 : i32
      "tpu.region"() ({
        %run_scoped3A = tpu.sem_alloc : memref<!tpu.dma_semaphore, #tpu.memory_space<semaphore_mem>>
        %dma_start3A_48 = tpu.memref_slice %arg4[%mul3A_46] : memref<3407872xf32, #tpu.memory_space<hbm>> -> memref<3328xf32, #tpu.memory_space<hbm>>
        %dma_start3A_49 = tpu.memref_slice %arg4[%mul3A_46] : memref<3407872xf32, #tpu.memory_space<hbm>> -> memref<3328xf32, #tpu.memory_space<hbm>>
        tpu.enqueue_dma source(%arg7 : memref<3328xf32, #tpu.memory_space<vmem>>) target(%dma_start3A_49 : memref<3328xf32, #tpu.memory_space<hbm>>) target_semaphore(%run_scoped3A : memref<!tpu.dma_semaphore, #tpu.memory_space<semaphore_mem>>)
        %dma_wait3A_50 = tpu.memref_slice %arg4[%mul3A_46] : memref<3407872xf32, #tpu.memory_space<hbm>> -> memref<3328xf32, #tpu.memory_space<hbm>>
        %dma_wait3A_51 = tpu.memref_slice %arg4[%mul3A_46] : memref<3407872xf32, #tpu.memory_space<hbm>> -> memref<3328xf32, #tpu.memory_space<hbm>>
        tpu.wait_dma2 semaphore(%run_scoped3A : memref<!tpu.dma_semaphore, #tpu.memory_space<semaphore_mem>>) src(%arg7 : memref<3328xf32, #tpu.memory_space<vmem>>) dst(%dma_wait3A_51 : memref<3328xf32, #tpu.memory_space<hbm>>)
        tpu.yield
      }) : () -> ()
      %scan3A_47 = arith.constant 0 : i32
      scf.yield %scan3A_47 : i32
    }
    %scan3A_22 = arith.constant 32 : i32
    return
  }
}

</mosaic_0001>

<sc_bundles>
// kernel: kernel.3.cloned.1.call-start
scs
__scs_entry_jumppad:
0x0: {  	(pc) =	sbr.rel $0x88, $3  }
0x1: {  	(tag) =	ssettag $0x0;
	lr =	simm.s32 $0x1  }
0x2: {  	[smem:$0x3F9F] =	sst lr;
	_ =	strace $0xD0000000  }
0x3: {  	_ = 	snop  }
0x4: {  	_ = 	snop  }
0x5: {  	_ = 	snop  }
0x6: {  	_ = 	snop  }
0x7: {  	_ = 	snop  }
__scs_overlays_trampoline_lowered:
0x8: {  	[smem:$0x3FAE] =	sst s0  }
0x9: {  	[smem:$0x3FAF] =	sst s1  }
0xa: {  	[smem:$0x3FB0] =	sst s2  }
0xb: {  	[smem:$0x3FB1] =	sst s3  }
0xc: {  	[smem:$0x3FB2] =	sst s4  }
0xd: {  	[smem:$0x3FB3] =	sst s5  }
0xe: {  	[smem:$0x3FB4] =	sst s6  }
0xf: {  	[smem:$0x3FB5] =	sst s7  }
0x10: {  	[smem:$0x3FB6] =	sst s8  }
0x11: {  	[smem:$0x3FB7] =	sst s9;
	s0 =	simm.s32 @!p0 $0x0  }
0x12: {  	s1 =	sld [smem:$0x3F9D];
	s0 =	simm.s32 @p0 $0x1  }
0x13: {  	[smem:$0x3FB8] =	sst s0;
	s0 =	simm.s32 @!p1 $0x0  }
0x14: {  	s2 =	sld [smem:$0x3F9C];
	s0 =	simm.s32 @p1 $0x1  }
0x15: {  	[smem:$0x3FB9] =	sst s0;
	s0 =	simm.s32 @!p2 $0x0  }
0x16: {  	s3 =	sld [smem:$0x3FDB];
	s0 =	simm.s32 @p2 $0x1  }
0x17: {  	s4 =	simm.s32 $0x1BF5;
	[smem:$0x3FBB] =	sst s0  }
0x18: {  	s0 =	sld [smem:$0x3F9E];
	_ =	swait.ge [sflag:s4], $0x0  }
0x19: {  	s7 =	sld [smem:$0x3F9F]  }
0x1a: {  	s8 =	sadd.s32 $0xFFFFE003, lr  }
0x1b: {  	s9 =	sadd.s32 $0xFFFFFEF7, lr;
	s5 =	simm.s32 $0xFFFFFFFF;
	p2 =	slt.u32 s8, $0xFFFFF086  }
0x1c: {  	p1 =	slt.u32 s9, $0xF7A;
	s5 =	simm.s32 @!p2 $0x0  }
0x1d: {  	s5 =	simm.s32 @p1 $0x1;
	p0 =	seq.s32 s7, s2  }
0x1e: {  	s7 =	smul.u32 @!p0 $0xF7A, s2;
	p2 =	seq.s32 @!p0 s5, $0x0  }
0x1f: {  	s9 =	smul.u32 $0xF7A, s1;
	s8 =	simm.s32 @!p0 $0x1BF5;
	p2 =	por !p2, p0  }
0x20: {  	[sflag:s8] =	ssyncset.s32 @!p0 $0xFFFFF086;
	s6 =	sadd.s32 @!p0 s3, s7;
	s7 =	simm.s32 @!p0 $0x108  }
0x21: {  	s3 =	sadd.s32 s3, s9;
	s6 =	sadd.s32 @!p0 $0x88, s6;
	s7 =	simm.s32 @p2 $0x1082  }
0x22: {  	[simem:s7], [sflag:s8] =	dma.local @!p0 [hbm:s6], $0xF7A  }
0x23: {  	s9 =	sor.u32 $0xD0000000, s2;
	s6 =	simm.s32 $0x108;
	_ =	swait.ge @!p0 [sflag:s8], $0x0  }
0x24: {  	s3 =	sadd.s32 $0x88, s3;
	s6 =	simm.s32 @!p1 $0x1082;
	[sflag:s4] =	ssyncset.s32 $0xFFFFF086  }
0x25: {  	[simem:s6], [sflag:s4] =	dma.local [hbm:s3], $0xF7A  }
0x26: {  	[smem:$0x3F9F] =	sst s1;
	(tag) =	ssettag s2;
	_ =	strace s9  }
0x27: {  	s1 =	sld [smem:$0x3FAF]  }
0x28: {  	s2 =	sld [smem:$0x3FB0]  }
0x29: {  	s4 =	sld [smem:$0x3FB2]  }
0x2a: {  	p0 =	seq.s32 s5, $0x0;
	s5 =	sld [smem:$0x3FB3]  }
0x2b: {  	s6 =	sld [smem:$0x3FB4]  }
0x2c: {  	s7 =	sld [smem:$0x3FB5]  }
0x2d: {  	s3 =	simm.s32 $0x108;
	s8 =	sld [smem:$0x3FB6]  }
0x2e: {  	s3 =	simm.s32 @!p0 $0x1082;
	s9 =	sld [smem:$0x3FB7]  }
0x2f: {  	lr =	sadd.s32 s0, s3;
	s0 =	sld [smem:$0x3FAE]  }
0x30: {  	s3 =	sld [smem:$0x3FB1]  }
0x31: {  	[smem:$0x3FBA] =	sst s10  }
0x32: {  	s10 =	sld [smem:$0x3FB8];
	_ =	sdelay $0x3  }
0x33: {  	p0 =	seq.s32 s10, $0x1;
	s10 =	sld [smem:$0x3FBA];
	_ =	sdelay $0x3  }
0x34: {  	[smem:$0x3FBA] =	sst s10  }
0x35: {  	s10 =	sld [smem:$0x3FB9];
	_ =	sdelay $0x3  }
0x36: {  	p1 =	seq.s32 s10, $0x1;
	s10 =	sld [smem:$0x3FBA];
	_ =	sdelay $0x3  }
0x37: {  	[smem:$0x3FBA] =	sst s10  }
0x38: {  	s10 =	sld [smem:$0x3FBB]  }
0x39: {  	_ = 	snop;
	(pc) =	sbr.ind lr, $3  }
0x3a: {  	_ = 	snop  }
0x3b: {  	_ = 	snop  }
0x3c: {  	p2 =	seq.s32 s10, $0x1;
	s10 =	sld [smem:$0x3FBA]  }
0x3d: {  	_ =	shalt  }
0x3e: {  	_ =	shalt  }
0x3f: {  	_ =	shalt  }
0x40: {  	_ =	shalt  }
0x41: {  	_ =	shalt  }
0x42: {  	_ =	shalt  }
0x43: {  	_ =	shalt  }
0x44: {  	_ =	shalt  }
0x45: {  	_ =	shalt  }
0x46: {  	_ =	shalt  }
0x47: {  	_ =	shalt  }
0x48: {  	_ =	shalt  }
0x49: {  	_ =	shalt  }
0x4a: {  	_ =	shalt  }
0x4b: {  	_ =	shalt  }
0x4c: {  	_ =	shalt  }
0x4d: {  	_ =	shalt  }
0x4e: {  	_ =	shalt  }
0x4f: {  	_ =	shalt  }
0x50: {  	_ =	shalt  }
0x51: {  	_ =	shalt  }
0x52: {  	_ =	shalt  }
0x53: {  	_ =	shalt  }
0x54: {  	_ =	shalt  }
0x55: {  	_ =	shalt  }
0x56: {  	_ =	shalt  }
0x57: {  	_ =	shalt  }
0x58: {  	_ =	shalt  }
0x59: {  	_ =	shalt  }
0x5a: {  	_ =	shalt  }
0x5b: {  	_ =	shalt  }
0x5c: {  	_ =	shalt  }
0x5d: {  	_ =	shalt  }
0x5e: {  	_ =	shalt  }
0x5f: {  	_ =	shalt  }
0x60: {  	_ =	shalt  }
0x61: {  	_ =	shalt  }
0x62: {  	_ =	shalt  }
0x63: {  	_ =	shalt  }
0x64: {  	_ =	shalt  }
0x65: {  	_ =	shalt  }
0x66: {  	_ =	shalt  }
0x67: {  	_ =	shalt  }
0x68: {  	_ =	shalt  }
0x69: {  	_ =	shalt  }
0x6a: {  	_ =	shalt  }
0x6b: {  	_ =	shalt  }
0x6c: {  	_ =	shalt  }
0x6d: {  	_ =	shalt  }
0x6e: {  	_ =	shalt  }
0x6f: {  	_ =	shalt  }
0x70: {  	_ =	shalt  }
0x71: {  	_ =	shalt  }
0x72: {  	_ =	shalt  }
0x73: {  	_ =	shalt  }
0x74: {  	_ =	shalt  }
0x75: {  	_ =	shalt  }
0x76: {  	_ =	shalt  }
0x77: {  	_ =	shalt  }
0x78: {  	_ =	shalt  }
0x79: {  	_ =	shalt  }
0x7a: {  	_ =	shalt  }
0x7b: {  	_ =	shalt  }
0x7c: {  	_ =	shalt  }
0x7d: {  	_ =	shalt  }
0x7e: {  	_ =	shalt  }
0x7f: {  	_ =	shalt  }
0x80: {  	_ =	shalt  }
0x81: {  	_ =	shalt  }
0x82: {  	_ =	shalt  }
0x83: {  	_ =	shalt  }
0x84: {  	_ =	shalt  }
0x85: {  	_ =	shalt  }
0x86: {  	_ =	shalt  }
0x87: {  	_ =	shalt  }
.Lfunc_end0:
.L_simem_size_0:
called_computation_lowered:
.L_overlay_start_0:
0x88: {  	s2 =	sld [smem:$0x3FD9]  }
0x89: {  	s3 =	sld [smem:$0x3FFE];
	_ =	sdelay $0x1  }
0x8a: {  	s1 =	srdreg.scid  }
0x8b: {  	s0 =	sand.u32 $0x1, s1  }
0x8c: {  	s17 =	sshll.u32 s0, $0xA;
	s2 =	sadd.s32 s3, s2  }
0x8d: {  	s2 =	sadd.s32 s2, s17  }
0x8e: {  	[smem:$0x3FC6] =	sst s2  }
0x8f: {  	_ = 	snop  }
0x90: {  	s2 =	sld [smem:$0x3FD0];
	(tm) =	ssettm $0x1  }
0x91: {  	s18 =	sld [smem:$0x3FFB];
	_ =	sdelay $0x3  }
0x92: {  	_ =	strace s18  }
0x93: {  	s3 =	sld [smem:$0x3FFC];
	_ =	sdelay $0x3  }
0x94: {  	_ =	strace s3  }
0x95: {  	s3 =	sld [smem:$0x3FFD];
	_ =	sdelay $0x3  }
0x96: {  	_ =	strace s3  }
0x97: {  	_ =	strace $0x8FFFFFFF  }
0x98: {  	s19 =	sld [smem:$0x3FDB];
	_ =	sdelay $0x1  }
0x99: {  	s4 =	simm.s32 $_scs_section_size  }
0x9a: {  	s5 =	simm.s32 $_size__tile_overlayer_lowered;
	s6 =	simm.s32 $_tile_overlayer_lowered  }
0x9b: {  	s22 =	simm.s32 $0x1BFF;
	s21 =	sshll.u32 s6, $0x1;
	s3 =	sadd.s32 s4, s19  }
0x9c: {  	s7 =	simm.s32 $0x0;
	s20 =	sshll.u32 s5, $0x1;
	s5 =	sadd.s32 s21, s3  }
0x9d: {  	[timem:s7], [sflag:s22] =	dma.local [hbm:s5], s20  }
0x9e: {  	_ =	swait.ge [sflag:s22], s20  }
0x9f: {  	s4 =	ssub.s32 $0x0, s20;
	[sflag:s22] =	ssyncset.done $0x0  }
0xa0: {  	[sflag:s22] =	ssyncadd.s32 s4;
	_ =	sdelay $0x1  }
0xa1: {  	s23 =	simm.s32 $0x1B8B  }
0xa2: {  	_ =	swait.ge [sflag:s23], $0x1  }
0xa3: {  	[sflag:s23] =	ssyncset.done $0x0  }
0xa4: {  	s25 =	simm.s32 $0x1B8E;
	s24 =	sld [smem:$0x3FFE];
	[sflag:s23] =	ssyncadd.s32 $0xFFFFFFFF  }
0xa5: {  	s26 =	simm.s32 $execute0_lowered;
	[smem:$0x3FD2] =	sst s25  }
0xa6: {  	s5 =	sshll.u32 s26, $0x1;
	_ =	strace $0x80000046;
	[dreg:$0x1] =	wrdreg $0xFFFFFFFF  }
0xa7: {  	s28 =	simm.s32 $_size_execute0_lowered;
	s3 =	sadd.s32 s3, s5;
	[dreg:$0x0] =	wrdreg $0x0  }
0xa8: {  	s5 =	sshll.u32 s28, $0x1;
	[dreg:$0x2] =	wrdreg s3  }
0xa9: {  	[dreg:$0x3] =	wrdreg s5  }
0xaa: {  	[dreg:$0x4] =	wrdreg $0xC0  }
0xab: {  	_ =	task [dreg:s7], $0x5FFFF  }
0xac: {  	[dreg:$0x1] =	wrdreg $0xFFFFFFFF  }
0xad: {  	[dreg:$0x0] =	wrdreg $0x60  }
0xae: {  	[dreg:$0x2] =	wrdreg s24  }
0xaf: {  	[dreg:$0x3] =	wrdreg s2  }
0xb0: {  	[dreg:$0x4] =	wrdreg $0x9  }
0xb1: {  	_ =	task.clear_ibuf [dreg:s7], $0x5FFFF;
	_ =	strace $0x90000046  }
0xb2: {  	s29 =	simm.s32 $0x9;
	_ =	strace $0x80000048  }
0xb3: {  	_ =	swait.ge [sflag:s29], $0x1  }
0xb4: {  	[sflag:s29] =	ssyncadd.s32 $0xFFFFFFFF  }
0xb5: {  	_ =	strace $0x90000048  }
0xb6: {  	_ =	sfence  }
0xb7: {  	s30 =	sld [smem:$0x0];
	_ =	sdelay $0x2  }
0xb8: {  	s31 =	sshll.u32 s1, $0xD;
	s1 =	sshrl.u32 s1, $0x2  }
0xb9: {  	s3 =	sand.u32 $0x4000, s31;
	s1 =	sadd.s32 s1, s30  }
0xba: {  	s0 =	sor.u32 s3, s0;
	s1 =	sshll.u32 s1, $0x11  }
0xbb: {  	s0 =	sor.u32 s1, s0  }
0xbc: {  	s0 =	sadd.s32 $0x8F2B, s0  }
0xbd: {  	[sflag:s0] =	ssyncadd.remote.s32 $0x1  }
0xbe: {  	_ =	sfence.sel $0xFFFF  }
0xbf: {  	[dreg:$0x0] =	wrdreg $0xFFFFFFFF;
	(pc) =	sbr.abs _section_cstart, $3  }
0xc0: {  	[dreg:$0x1] =	wrdreg $0xFFFFFFFF  }
0xc1: {  	_ =	task.clear_ibuf [dreg:s7], $0x2FFFF;
	_ =	strace $0x9FFFFFFF  }
0xc2: {  	(tm) =	ssettm $0x7FFFFFFF  }
0xc3: {  	_ =	shalt  }
tec
execute0_lowered:
.L_overlay_start_1:
0x0: {  	(tag) =	ssettag $0x1  }
0x1: {  	s4 =	rddreg [dreg:$0x0];
	s1 =	srdreg.scid  }
0x2: {  	s0 =	stileid.u32;
	s2 =	rddreg [dreg:$0x1];
	s3 =	simm.s32 $0x0  }
0x3: {  	s9 =	simm.s32 $0x68;
	s10 =	simm.s32 $0xD00;
	s11 =	simm.s32 $0x1  }
0x4: {  	s12 =	simm.s32 $0x1A00;
	s5 =	sand.u32 $0x1, s1;
	s6 =	sshll.u32 s0, $0x1  }
0x5: {  	s13 =	simm.s32 $0x0;
	s1 =	rddreg [dreg:$0x2];
	s6 =	sor.u32 s5, s6  }
0x6: {  	[smem:$0x7FF] =	sst s3;
	s5 =	ssub.s32 $0x2, s5;
	s7 =	smul.u32 $0x1A0, s6  }
0x7: {  	_ =	strace $0x80000047;
	s8 =	sshrl.u32 s5, $0x1;
	s6 =	sshll.u32 s6, $0x7  }
0x8: {  	v0 =	vlaneseq.u32;
	s8 =	ssub.s32 s5, s8;
	s7 =	sadd.s32 s7, s4;
	s4 =	sadd.s32 $0x27ACA00, s4  }
0x9: {  	v1 =	vmul.u32 $0x1A, v0;
	s5 =	sadd.s32 $0x600, s7;
	s7 =	smax.u32 s8, $0x1;
	s8 =	simm.s32 $0x2  }
.LBB2_1:
0xa: {  	s14 =	sand.u32 $0x10, s3  }
0xb: {  	v2 =	vmov s14  }
0xc: {  	s30 =	simm.s32 $0x10;
	v2 =	vmul.u32 $0x1A, v2  }
0xd: {  	s15 =	simm.s32 $0x0;
	s14 =	sand.u32 $0x10, s30  }
0xe: {  	[tilespmem:s3], [sflag:$0x2] =	stream.linear.gather [hbm4b:s5+s3], $0xD00, $0x38;
	v3 =	vmov s14;
	v2 =	vadd.s32 s15, v2;
	[tilespmem:$0x2A40] =	vst v63  }
0xf: {  	_ =	swait.ge [sflag:s8], $0xD00;
	v3 =	vmul.u32 $0x1A, v3;
	v2 =	vbroadcast v2, $0x0  }
0x10: {  	s31 =	simm.s32 $0x0;
	[sflag:s8] =	ssyncset.done $0x0  }
0x11: {  	s14 =	simm.s32 $0x2700;
	[sflag:s8] =	ssyncadd.s32 $0xFFFFF300;
	v3 =	vadd.s32 s31, v3;
	v2 =	vadd.s32 v1, v2  }
0x12: {  	s16 =	simm.s32 $0x20;
	s15 =	simm.s32 $0x2;
	[tilespmem:s14+$0x0] =	vst v2;
	v2 =	vbroadcast v3, $0x0  }
.LBB2_2:
0x13: {  	s17 =	sand.u32 $0x10, s16  }
0x14: {  	p0 =	sne.s32 s15, $0x33;
	s18 =	smov.u32 s15;
	s15 =	sadd.s32 $0x1, s15  }
.Ltmp0:
0x15: {  	s14 =	sadd.s32 $0x10, s14;
	v3 =	vmov s17;
	v2 =	vadd.s32 v1, v2;
	(pc) =	sbr.rel @p0 .LBB2_2-.Ltmp0, $4  }
0x16: {  	v3 =	vmul.u32 $0x1A, v3;
	[tilespmem:s14+$0x0] =	vst v2  }
0x17: {  	s17 =	sshrl.u32 s18, $0x1  }
0x18: {  	v2 =	vadd.s32 s17, v3  }
0x19: {  	s16 =	sadd.s32 $0x10, s16;
	v2 =	vbroadcast v2, $0x0  }
0x1a: {  	p1 =	por $0x1, $0x1  }
.Ltmp1:
0x1b: {  	_ = 	snop;
	(pc) =	sbr.rel @!p1 .LBB2_4-.Ltmp1, $3  }
0x1c: {  	_ =	sdelay $0x1  }
0x1d: {  	s15 =	sadd.s32 $0x10, s14;
	s14 =	simm.s32 $0x0;
	v2 =	vadd.s32 v1, v2  }
0x1e: {  	p0 =	por $0x0, $0x0;
	[tilespmem:s15+$0x0] =	vst v2;
	v2 =	vor.u32 s14, v0;
	s15 =	simm.s32 $0x10  }
0x1f: {  	v3 =	vmulhi.u32 $0x4EC4EC4F, v2;
	_ =	sdelay $0x1  }
0x20: {  	v3 =	vshrl.u32 v3, $0x3  }
0x21: {  	p1 =	por $0x1, $0x1;
	v3 =	vmul.u32 $0x1A, v3  }
.Ltmp2:
0x22: {  	_ = 	snop;
	(pc) =	sbr.rel @!p1 .LBB2_6-.Ltmp2, $2  }
0x23: {  	v4 =	vsub.s32 v2, v3;
	v3 =	vld [tilespmem:s14+$0x0];
	_ =	sdelay $0x2  }
0x24: {  	s16 =	simm.s32 $0x20;
	p0 =	por $0x1, $0x1;
	v2 =	vor.u32 s15, v0;
	s15 =	simm.s32 $0x0;
	v4 =	vmul.u32 $0x186A0, v4  }
.LBB2_7:
0x25: {  	p1 =	sne.s32 s16, $0xCF0;
	v5 =	vmulhi.u32 $0x4EC4EC4F, v2  }
0x26: {  	v3 =	vadd.s32 v4, v3  }
.Ltmp3:
0x27: {  	v4 =	vshrl.u32 v5, $0x3;
	[tilespmem:s15+$0x0] =	vst v3;
	s15 =	sadd.s32 $0x10, s15;
	(pc) =	sbr.rel @p1 .LBB2_7-.Ltmp3, $3  }
0x28: {  	v4 =	vmul.u32 $0x1A, v4;
	v3 =	vld [tilespmem:s15+$0x0];
	_ =	sdelay $0x1  }
0x29: {  	v4 =	vsub.s32 v2, v4  }
0x2a: {  	v2 =	vor.u32 s16, v0;
	s16 =	sadd.s32 $0x10, s16;
	v4 =	vmul.u32 $0x186A0, v4  }
.LBB2_8:
0x2b: {  	v5 =	vmulhi.u32 $0x4EC4EC4F, v2  }
0x2c: {  	s16 =	sadd.s32 @p0 $0x10, s15;
	s17 =	simm.s32 $0x0;
	v3 =	vadd.s32 @p0 v4, v3  }
0x2d: {  	s17 =	smov.u32 @p0 s16;
	v62 =	vshrl.u32 v5, $0x3;
	[tilespmem:s15+$0x0] =	vst @p0 v3  }
0x2e: {  	v3 =	vmul.u32 $0x1A, v62;
	v63 =	vld [tilespmem:s17+$0x0];
	_ =	sdelay $0x1  }
0x2f: {  	v2 =	vsub.s32 v2, v3  }
0x30: {  	v2 =	vmul.u32 $0x186A0, v2;
	_ =	sdelay $0x1  }
0x31: {  	v2 =	vadd.s32 v2, v63  }
0x32: {  	[tilespmem:s17+$0x0] =	vst v2  }
.LBB2_9:
0x33: {  	s16 =	smul.u32 $0x1A0, s14  }
0x34: {  	s15 =	simm.s32 $0x0  }
0x35: {  	s17 =	smul.u32 $0x4F, s15;
	s16 =	sshra.s32 s16, $0x2  }
0x36: {  	[tilespmem:s10], [sflag:$0x1] =	stream.indirect.gather [hbm4b:s4+s9], $0x20, s16, s9, $0xb8;
	[tilespmem:$0x2A40] =	vst v63  }
0x37: {  	s30 =	sshrl.u32 s17, $0xC  }
0x38: {  	s18 =	sand.u32 $0xF, s30  }
0x39: {  	s16 =	smul.u32 $0x34, s18;
	_ =	sdelay $0x1  }
0x3a: {  	_ =	swait.ge [sflag:s11], $0xD00;
	s31 =	ssub.s32 $0x0, s16  }
0x3b: {  	[sflag:s11] =	ssyncset.done $0x0;
	s17 =	sand.u32 $0xFF, s31  }
0x3c: {  	[sflag:s11] =	ssyncadd.s32 $0xFFFFF300;
	s17 =	sshll.u32 s17, $0x4  }
0x3d: {  	v2 =	vld [tilespmem:s17+$0x2700]  }
0x3e: {  	s19 =	simm.s32 $0x2;
	s21 =	sand.u32 $0x10, s15;
	s16 =	simm.s32 $0x1  }
0x3f: {  	s22 =	sand.u32 $0x3F80, s15;
	s20 =	smul.u32 $0x4F, s16;
	s17 =	simm.s32 $0x0  }
.LBB2_10:
0x40: {  	p0 =	sne.s32 s19, $0xCF;
	s22 =	sshrl.u32 s22, $0x2;
	s23 =	smul.u32 $0x340, s18  }
0x41: {  	s18 =	sshrl.u32 s20, $0xC;
	s20 =	sor.u32 s21, s22  }
0x42: {  	s18 =	sand.u32 $0xF, s18;
	v3 =	vld [tilespmem:s20+$0xD00];
	v2 =	vadd.s32 s23, v2  }
0x43: {  	s20 =	smul.u32 $0x34, s18;
	_ =	sdelay $0x1  }
0x44: {  	s20 =	ssub.s32 s16, s20;
	s16 =	smov.u32 s19  }
.Ltmp4:
0x45: {  	s20 =	sand.u32 $0xFF, s20;
	(pc) =	sbr.rel @p0 .LBB2_10-.Ltmp4, $4  }
0x46: {  	s20 =	sshll.u32 s20, $0x4;
	[tilespmem:v2+s12+$0x0] =	vst.idx.msk $0xffff, v3  }
0x47: {  	v2 =	vld [tilespmem:s20+$0x2700]  }
0x48: {  	s15 =	sadd.s32 $0x10, s15;
	s17 =	sadd.s32 $0x40, s17;
	s20 =	smul.u32 $0x4F, s19  }
0x49: {  	s21 =	sand.u32 $0x10, s15;
	s22 =	sand.u32 $0x3F80, s17;
	s19 =	sadd.s32 $0x1, s19  }
0x4a: {  	s19 =	sshrl.u32 s22, $0x2;
	s18 =	smul.u32 $0x340, s18  }
0x4b: {  	s20 =	sshrl.u32 s20, $0xC;
	s19 =	sor.u32 s21, s19  }
0x4c: {  	s20 =	sand.u32 $0xF, s20;
	v3 =	vld [tilespmem:s19+$0xD00];
	v2 =	vadd.s32 s18, v2  }
0x4d: {  	s28 =	smul.u32 $0x34, s20;
	_ =	sdelay $0x1  }
0x4e: {  	s16 =	ssub.s32 s16, s28  }
0x4f: {  	s16 =	sand.u32 $0xFF, s16  }
0x50: {  	s16 =	sshll.u32 s16, $0x4;
	[tilespmem:v2+s12+$0x0] =	vst.idx.msk $0xffff, v3  }
0x51: {  	v2 =	vld [tilespmem:s16+$0x2700]  }
0x52: {  	s29 =	sadd.s32 $0x40, s17  }
0x53: {  	s15 =	sadd.s32 $0x10, s15;
	s16 =	sand.u32 $0x3F80, s29  }
0x54: {  	s15 =	sand.u32 $0x10, s15;
	s30 =	smul.u32 $0x340, s20;
	s16 =	sshrl.u32 s16, $0x2  }
0x55: {  	s15 =	sor.u32 s15, s16  }
0x56: {  	v3 =	vld [tilespmem:s15+$0xD00];
	v2 =	vadd.s32 s30, v2  }
0x57: {  	s31 =	sshll.u32 s14, $0x2  }
0x58: {  	s15 =	sadd.s32 s6, s31  }
0x59: {  	s14 =	sadd.s32 $0x1, s14;
	s15 =	smul.u32 $0x68, s15  }
0x5a: {  	p0 =	sne.s32 s14, $0x20  }
.Ltmp5:
0x5b: {  	s15 =	sadd.s32 s2, s15;
	[tilespmem:v2+s12+$0x0] =	vst.idx.msk $0xffff, v3;
	(pc) =	sbr.rel @p0 .LBB2_9-.Ltmp5, $4  }
0x5c: {  	[hbm4b:s15+s3] =	stream.linear.scatter [tilespmem:s12], [sflag:$0x2], $0xD00, $0x38;
	[tilespmem:$0x2A40] =	vst v63  }
0x5d: {  	_ =	swait.ge [sflag:s8], $0xD00  }
0x5e: {  	[sflag:s8] =	ssyncset.done $0x0  }
0x5f: {  	[sflag:s8] =	ssyncadd.s32 $0xFFFFF300  }
0x60: {  	s13 =	sadd.s32 $0x1, s13  }
0x61: {  	p0 =	sne.s32 s13, s7  }
.Ltmp6:
0x62: {  	_ = 	snop;
	(pc) =	sbr.rel @p0 .LBB2_1-.Ltmp6, $4  }
.Ltmp7:
0x63: {  	_ = 	snop;
	(pc) =	sbr.rel @!p0 .LBB2_13-.Ltmp7, $4  }
0x64: {  	_ = 	snop  }
0x65: {  	_ = 	snop  }
0x66: {  	_ = 	snop  }
0x67: {  	_ = 	snop  }
.LBB2_4:
.Ltmp8:
0x68: {  	(pc) =	sbr.rel .LBB2_8-.Ltmp8, $2  }
0x69: {  	_ =	sdelay $0x2  }
0x6a: {  	s15 =	simm.s32 $0x0  }
.LBB2_6:
.Ltmp9:
0x6b: {  	(pc) =	sbr.rel .LBB2_8-.Ltmp9, $2  }
0x6c: {  	_ =	sdelay $0x2  }
0x6d: {  	s15 =	simm.s32 $0x0  }
.LBB2_13:
0x6e: {  	_ =	sfence.sel $0x180000  }
0x6f: {  	[bflag:$0x0] =	sbarrier.arrive $0xFFFF  }
0x70: {  	p0 =	sne.s32 s0, $0x0;
	_ =	strace $0x90000047  }
0x71: {  	s0 =	sadd.s32 @!p0 $0x100000, s1;
	[bflag:$0x2] =	sbarrier.arrive $0xFFFF  }
0x72: {  	[sflag:s0] =	ssyncadd.tile.s32 @!p0 $0x1;
	_ =	shalt  }
.Lfunc_end2:
_tile_overlayer_lowered:
.L_overlay_start_2:
0x73: {  	(tag) =	ssettag $0x2  }
0x74: {  	s0 =	rddreg [dreg:$0x0];
	s2 =	stileid.u32  }
0x75: {  	s1 =	rddreg [dreg:$0x1];
	p0 =	sne.s32 s2, $0x0  }
0x76: {  	s3 =	rddreg [dreg:$0x2];
	[bflag:$0x3] =	sbarrier.arrive $0xFFFF;
	s2 =	simm.s32 @!p0 $0x1C02  }
0x77: {  	[timem:s3], [sflag:s2] =	dma.local @!p0 [hbm:s0], s1  }
0x78: {  	s0 =	simm.s32 @!p0 $0x2  }
0x79: {  	_ =	swait.ge @!p0 [sflag:s0], s1  }
0x7a: {  	s1 =	ssub.s32 @!p0 $0x0, s1;
	[sflag:s0] =	ssyncset.done @!p0 $0x0  }
0x7b: {  	[sflag:s0] =	ssyncadd.s32 @!p0 s1  }
0x7c: {  	[bflag:$0x3] =	sbarrier.arrive $0xFFFF  }
0x7d: {  	_ =	shalt  }

</sc_bundles>
